<compile_context>
chip_gen: v7x
topology: tpu7x:2x2x1
jax: 0.10.2.dev20260603
libtpu: 0.0.44.dev20260713+nightly
codegen_flags: <defaults>
</compile_context>

<pallas_src>
import functools

import jax
import jax.numpy as jnp
from jax import lax
from jax.experimental import pallas as pl
from jax.experimental.pallas import tpu as pltpu
from jax.experimental.pallas import tpu_sc as plsc

_CHUNK = 1024


def _tc_body(s_ref, w_ref, b_ref, p1_ref):
    T, bB, D = s_ref.shape
    s = s_ref[...].reshape(T * bB, D)
    l = lax.dot_general(w_ref[...], s, (((1,), (1,)), ((), ())))
    l0 = l[0:1] + b_ref[0, 0]
    l1 = l[1:2] + b_ref[0, 1]
    d10 = l1 - l0
    d01 = l0 - l1
    e10 = jnp.exp(d10)
    e01 = jnp.exp(d01)
    ge = l1 >= l0
    num = jnp.where(ge, 1.0, e10)
    den = jnp.where(ge, e01 + 1.0, 1.0 + e10)
    p1 = num / den
    for t in range(T):
        row = p1[0:1, t * bB:(t + 1) * bB]
        p1_ref[pl.ds(t, 1), :] = row


def _make_sc_argmax(T, B):
    mesh = plsc.VectorSubcoreMesh(core_axis_name="c", subcore_axis_name="s", num_cores=1)

    @functools.partial(
        pl.kernel,
        out_type=jax.ShapeDtypeStruct((T, 16), jnp.int32),
        mesh=mesh,
        scratch_types=[
            pltpu.VMEM((B,), jnp.float32),
            pltpu.VMEM((B,), jnp.float32),
            pltpu.VMEM((16,), jnp.int32),
        ],
        compiler_params=pltpu.CompilerParams(needs_layout_passes=False),
    )
    def sc_argmax(p1_hbm, g_hbm, out_hbm, buf, gbuf, res):
        wid = lax.axis_index("s")

        @pl.when(wid < T)
        def _():
            pltpu.sync_copy(p1_hbm.at[wid], buf)
            pltpu.sync_copy(g_hbm.at[wid], gbuf)
            lanes = lax.iota(jnp.int32, 16)
            UNROLL = 8

            def body(k, carry):
                m, idx = carry
                base = k * (16 * UNROLL)
                for u in range(UNROLL):
                    v = buf[pl.ds(base + u * 16, 16)] + gbuf[pl.ds(base + u * 16, 16)]
                    gi = (base + u * 16) + lanes
                    upd = v > m
                    m = jnp.where(upd, v, m)
                    idx = jnp.where(upd, gi, idx)
                return m, idx

            m0 = jnp.full((16,), -jnp.inf, jnp.float32)
            i0 = jnp.zeros((16,), jnp.int32)
            m, idx = lax.fori_loop(0, B // (16 * UNROLL), body, (m0, i0))
            best = jnp.max(m, axis=0)
            cand = jnp.where(m == best, idx, jnp.int32(2**31 - 1))
            a = jnp.min(cand, axis=0)
            res[...] = jnp.broadcast_to(a, (16,))
            pltpu.sync_copy(res, out_hbm.at[wid])

    return sc_argmax


def kernel(states, W, b, action_space):
    T, B, D = states.shape
    A = W.shape[1]

    key = jax.random.key(42)
    keys = jax.vmap(jax.random.fold_in, in_axes=(None, 0))(
        key, jnp.arange(T, dtype=jnp.uint32))
    G = jax.vmap(lambda k: jax.random.gumbel(k, (B,), jnp.float32))(keys)

    wpad = jnp.zeros((8, D), jnp.float32).at[:A, :].set(W.T)
    bpad = jnp.zeros((8, 128), jnp.float32).at[0, :A].set(b)

    p1 = pl.pallas_call(
        _tc_body,
        grid=(B // _CHUNK,),
        in_specs=[
            pl.BlockSpec((T, _CHUNK, D), lambda j: (0, j, 0)),
            pl.BlockSpec((8, D), lambda j: (0, 0)),
            pl.BlockSpec((8, 128), lambda j: (0, 0)),
        ],
        out_specs=pl.BlockSpec((T, _CHUNK), lambda j: (0, j)),
        out_shape=jax.ShapeDtypeStruct((T, B), jnp.float32),
        compiler_params=pltpu.CompilerParams(
            dimension_semantics=("arbitrary",)
        ),
    )(states, wpad, bpad)

    out16 = _make_sc_argmax(T, B)(p1, G)
    actions = out16[:, 0]
    return (p1, actions)

# --- scband reference (transcript-rebuilt; emitter-appended) ---
"""Pipeline reference for scband-actor-categorical-47253230191024 (READ-ONLY COPY).

The authoritative reference and input builder live on the scoring server;
editing this copy changes nothing except your own understanding.
"""

import jax, jax.numpy as jnp
import numpy as np

T, B, D, A = 16, 16384, 128, 2

def setup_inputs(seed: int = 0) -> dict:
    key = jax.random.key(seed)
    k1, k2 = jax.random.split(key, 2)
    states = jax.random.normal(k1, (T, B, D), dtype=jnp.float32)
    # actor_net = Linear(D, A) parameters
    W = jax.random.normal(k2, (D, A), dtype=jnp.float32) * 0.05
    b = jnp.zeros((A,), dtype=jnp.float32)
    return {"states": states, "W": W, "b": b, "action_space": 2}

def reference(states, W, b, action_space):
    # Faithful translation of ActorCategorical.forward:
    #   for state in states:
    #       logits = actor_net(state)                      # [B, A]
    #       pi = Categorical(logits=logits.softmax(1)[:, 1])  # dist over B categories
    #       actions = pi.sample()                          # scalar in [0, B)
    key = jax.random.key(42)
    pi_logits_list = []
    actions_list = []
    for t in range(states.shape[0]):
        state = states[t]                       # [B, D]
        logits = state @ W + b                  # [B, A]
        p1 = jax.nn.softmax(logits, axis=1)[:, 1]  # [B] -- used as Categorical logits
        action = jax.random.categorical(jax.random.fold_in(key, t), p1)
        pi_logits_list.append(p1)
        actions_list.append(action)
    pi_logits = jnp.stack(pi_logits_list)       # [T, B] distribution params
    actions = jnp.stack(actions_list)           # [T] sampled category indices
    return (pi_logits, actions)

if __name__ == "__main__":
    import jax
    _d = setup_inputs()
    print(jax.jit(kernel)(*tuple(_d.values())))

</pallas_src>

<mosaic_0001>
#map = affine_map<(d0, d1) -> (0, 0)>
module attributes {stable_mosaic.version = 14 : i64} {
  func.func @sc_argmax(%arg0: i32, %arg1: i32, %arg2: memref<16x16384xf32, #tpu.memory_space<hbm>>, %arg3: memref<16x16384xf32, #tpu.memory_space<hbm>>, %arg4: memref<16x16xi32, #tpu.memory_space<hbm>>, %arg5: memref<16384xf32, #tpu.memory_space<vmem>>, %arg6: memref<16384xf32, #tpu.memory_space<vmem>>, %arg7: memref<16xi32, #tpu.memory_space<vmem>>) attributes {dimension_semantics = [#tpu.dimension_semantics<core_parallel>, #tpu.dimension_semantics<subcore_parallel>], iteration_bounds = array<i64: 1, 16>, scalar_prefetch = 0 : i64, scratch_operands = 3 : i64, tpu.core_type = #tpu.core_type<sc_vector_subcore>, window_params = [{transform_indices = #map}, {transform_indices = #map}, {transform_indices = #map}]} {
    %lt3A = arith.constant 16 : i32
    %lt3A_0 = arith.cmpi slt, %arg1, %lt3A : i32
    %convert_element_type3A = arith.extui %lt3A_0 : i1 to i32
    %cond3A = arith.constant 0 : i32
    %cond3A_1 = arith.cmpi ne, %convert_element_type3A, %cond3A : i32
    scf.if %cond3A_1 {
      "tpu.region"() ({
        %run_scoped3A = tpu.sem_alloc : memref<!tpu.dma_semaphore, #tpu.memory_space<semaphore_mem>>
        %dma_start3A = arith.constant 0 : i32
        %dma_start3A_24 = tpu.memref_slice %arg2[%arg1, %dma_start3A] : memref<16x16384xf32, #tpu.memory_space<hbm>> -> memref<1x16384xf32, #tpu.memory_space<hbm>>
        %dma_start3A_25 = tpu.memref_squeeze %dma_start3A_24 : memref<1x16384xf32, #tpu.memory_space<hbm>> -> memref<16384xf32, #tpu.memory_space<hbm>>
        %dma_start3A_26 = arith.constant 0 : i32
        %dma_start3A_27 = tpu.memref_slice %arg2[%arg1, %dma_start3A_26] : memref<16x16384xf32, #tpu.memory_space<hbm>> -> memref<1x16384xf32, #tpu.memory_space<hbm>>
        %dma_start3A_28 = tpu.memref_squeeze %dma_start3A_27 : memref<1x16384xf32, #tpu.memory_space<hbm>> -> memref<16384xf32, #tpu.memory_space<hbm>>
        tpu.enqueue_dma source(%dma_start3A_28 : memref<16384xf32, #tpu.memory_space<hbm>>) target(%arg5 : memref<16384xf32, #tpu.memory_space<vmem>>) target_semaphore(%run_scoped3A : memref<!tpu.dma_semaphore, #tpu.memory_space<semaphore_mem>>)
        %dma_wait3A = arith.constant 0 : i32
        %dma_wait3A_29 = tpu.memref_slice %arg2[%arg1, %dma_wait3A] : memref<16x16384xf32, #tpu.memory_space<hbm>> -> memref<1x16384xf32, #tpu.memory_space<hbm>>
        %dma_wait3A_30 = tpu.memref_squeeze %dma_wait3A_29 : memref<1x16384xf32, #tpu.memory_space<hbm>> -> memref<16384xf32, #tpu.memory_space<hbm>>
        %dma_wait3A_31 = arith.constant 0 : i32
        %dma_wait3A_32 = tpu.memref_slice %arg2[%arg1, %dma_wait3A_31] : memref<16x16384xf32, #tpu.memory_space<hbm>> -> memref<1x16384xf32, #tpu.memory_space<hbm>>
        %dma_wait3A_33 = tpu.memref_squeeze %dma_wait3A_32 : memref<1x16384xf32, #tpu.memory_space<hbm>> -> memref<16384xf32, #tpu.memory_space<hbm>>
        tpu.wait_dma2 semaphore(%run_scoped3A : memref<!tpu.dma_semaphore, #tpu.memory_space<semaphore_mem>>) src(%dma_wait3A_33 : memref<16384xf32, #tpu.memory_space<hbm>>) dst(%arg5 : memref<16384xf32, #tpu.memory_space<vmem>>)
        tpu.yield
      }) : () -> ()
      "tpu.region"() ({
        %run_scoped3A = tpu.sem_alloc : memref<!tpu.dma_semaphore, #tpu.memory_space<semaphore_mem>>
        %dma_start3A = arith.constant 0 : i32
        %dma_start3A_24 = tpu.memref_slice %arg3[%arg1, %dma_start3A] : memref<16x16384xf32, #tpu.memory_space<hbm>> -> memref<1x16384xf32, #tpu.memory_space<hbm>>
        %dma_start3A_25 = tpu.memref_squeeze %dma_start3A_24 : memref<1x16384xf32, #tpu.memory_space<hbm>> -> memref<16384xf32, #tpu.memory_space<hbm>>
        %dma_start3A_26 = arith.constant 0 : i32
        %dma_start3A_27 = tpu.memref_slice %arg3[%arg1, %dma_start3A_26] : memref<16x16384xf32, #tpu.memory_space<hbm>> -> memref<1x16384xf32, #tpu.memory_space<hbm>>
        %dma_start3A_28 = tpu.memref_squeeze %dma_start3A_27 : memref<1x16384xf32, #tpu.memory_space<hbm>> -> memref<16384xf32, #tpu.memory_space<hbm>>
        tpu.enqueue_dma source(%dma_start3A_28 : memref<16384xf32, #tpu.memory_space<hbm>>) target(%arg6 : memref<16384xf32, #tpu.memory_space<vmem>>) target_semaphore(%run_scoped3A : memref<!tpu.dma_semaphore, #tpu.memory_space<semaphore_mem>>)
        %dma_wait3A = arith.constant 0 : i32
        %dma_wait3A_29 = tpu.memref_slice %arg3[%arg1, %dma_wait3A] : memref<16x16384xf32, #tpu.memory_space<hbm>> -> memref<1x16384xf32, #tpu.memory_space<hbm>>
        %dma_wait3A_30 = tpu.memref_squeeze %dma_wait3A_29 : memref<1x16384xf32, #tpu.memory_space<hbm>> -> memref<16384xf32, #tpu.memory_space<hbm>>
        %dma_wait3A_31 = arith.constant 0 : i32
        %dma_wait3A_32 = tpu.memref_slice %arg3[%arg1, %dma_wait3A_31] : memref<16x16384xf32, #tpu.memory_space<hbm>> -> memref<1x16384xf32, #tpu.memory_space<hbm>>
        %dma_wait3A_33 = tpu.memref_squeeze %dma_wait3A_32 : memref<1x16384xf32, #tpu.memory_space<hbm>> -> memref<16384xf32, #tpu.memory_space<hbm>>
        tpu.wait_dma2 semaphore(%run_scoped3A : memref<!tpu.dma_semaphore, #tpu.memory_space<semaphore_mem>>) src(%dma_wait3A_33 : memref<16384xf32, #tpu.memory_space<hbm>>) dst(%arg6 : memref<16384xf32, #tpu.memory_space<vmem>>)
        tpu.yield
      }) : () -> ()
      %iota3A = tpu.iota {dimensions = array<i32: 0>} : vector<16xi32>
      %broadcast_in_dim3A = arith.constant 0xFF800000 : f32
      %broadcast_in_dim3A_2 = vector.broadcast %broadcast_in_dim3A : f32 to vector<16xf32>
      %broadcast_in_dim3A_3 = arith.constant 0 : i32
      %broadcast_in_dim3A_4 = vector.broadcast %broadcast_in_dim3A_3 : i32 to vector<16xi32>
      %scan3A = arith.constant 0 : i32
      %scan3A_5 = arith.constant 128 : i32
      %scan3A_6 = arith.addi %scan3A, %scan3A_5 : i32
      %scan3A_7 = arith.constant 1 : i32
      %scan3A_8:2 = scf.for %scan3A_24 = %scan3A to %scan3A_6 step %scan3A_7 iter_args(%scan3A_25 = %broadcast_in_dim3A_2, %scan3A_26 = %broadcast_in_dim3A_4) -> (vector<16xf32>, vector<16xi32>)  : i32 {
        %mul3A = arith.constant 128 : i32
        %mul3A_27 = arith.muli %scan3A_24, %mul3A : i32
        %add3A = arith.constant 0 : i32
        %add3A_28 = arith.addi %mul3A_27, %add3A : i32
        %get3A = arith.index_cast %add3A_28 : i32 to index
        %get3A_29 = tpu.vector_load %arg5[%get3A] {strides = array<i32>} : memref<16384xf32, #tpu.memory_space<vmem>>, vector<16xf32>,
        %add3A_30 = arith.constant 0 : i32
        %add3A_31 = arith.addi %mul3A_27, %add3A_30 : i32
        %get3A_32 = arith.index_cast %add3A_31 : i32 to index
        %get3A_33 = tpu.vector_load %arg6[%get3A_32] {strides = array<i32>} : memref<16384xf32, #tpu.memory_space<vmem>>, vector<16xf32>,
        %add3A_34 = arith.addf %get3A_29, %get3A_33 : vector<16xf32>
        %add3A_35 = arith.constant 0 : i32
        %add3A_36 = arith.addi %mul3A_27, %add3A_35 : i32
        %add3A_37 = vector.broadcast %add3A_36 : i32 to vector<16xi32>
        %add3A_38 = arith.addi %add3A_37, %iota3A : vector<16xi32>
        %gt3A = arith.cmpf ogt, %add3A_34, %scan3A_25 : vector<16xf32>
        %select_n3A_39 = arith.select %gt3A, %add3A_34, %scan3A_25 : vector<16xi1>, vector<16xf32>
        %select_n3A_40 = arith.select %gt3A, %add3A_38, %scan3A_26 : vector<16xi1>, vector<16xi32>
        %add3A_41 = arith.constant 16 : i32
        %add3A_42 = arith.addi %mul3A_27, %add3A_41 : i32
        %get3A_43 = arith.index_cast %add3A_42 : i32 to index
        %get3A_44 = tpu.vector_load %arg5[%get3A_43] {strides = array<i32>} : memref<16384xf32, #tpu.memory_space<vmem>>, vector<16xf32>,
        %add3A_45 = arith.constant 16 : i32
        %add3A_46 = arith.addi %mul3A_27, %add3A_45 : i32
        %get3A_47 = arith.index_cast %add3A_46 : i32 to index
        %get3A_48 = tpu.vector_load %arg6[%get3A_47] {strides = array<i32>} : memref<16384xf32, #tpu.memory_space<vmem>>, vector<16xf32>,
        %add3A_49 = arith.addf %get3A_44, %get3A_48 : vector<16xf32>
        %add3A_50 = arith.constant 16 : i32
        %add3A_51 = arith.addi %mul3A_27, %add3A_50 : i32
        %add3A_52 = vector.broadcast %add3A_51 : i32 to vector<16xi32>
        %add3A_53 = arith.addi %add3A_52, %iota3A : vector<16xi32>
        %gt3A_54 = arith.cmpf ogt, %add3A_49, %select_n3A_39 : vector<16xf32>
        %select_n3A_55 = arith.select %gt3A_54, %add3A_49, %select_n3A_39 : vector<16xi1>, vector<16xf32>
        %select_n3A_56 = arith.select %gt3A_54, %add3A_53, %select_n3A_40 : vector<16xi1>, vector<16xi32>
        %add3A_57 = arith.constant 32 : i32
        %add3A_58 = arith.addi %mul3A_27, %add3A_57 : i32
        %get3A_59 = arith.index_cast %add3A_58 : i32 to index
        %get3A_60 = tpu.vector_load %arg5[%get3A_59] {strides = array<i32>} : memref<16384xf32, #tpu.memory_space<vmem>>, vector<16xf32>,
        %add3A_61 = arith.constant 32 : i32
        %add3A_62 = arith.addi %mul3A_27, %add3A_61 : i32
        %get3A_63 = arith.index_cast %add3A_62 : i32 to index
        %get3A_64 = tpu.vector_load %arg6[%get3A_63] {strides = array<i32>} : memref<16384xf32, #tpu.memory_space<vmem>>, vector<16xf32>,
        %add3A_65 = arith.addf %get3A_60, %get3A_64 : vector<16xf32>
        %add3A_66 = arith.constant 32 : i32
        %add3A_67 = arith.addi %mul3A_27, %add3A_66 : i32
        %add3A_68 = vector.broadcast %add3A_67 : i32 to vector<16xi32>
        %add3A_69 = arith.addi %add3A_68, %iota3A : vector<16xi32>
        %gt3A_70 = arith.cmpf ogt, %add3A_65, %select_n3A_55 : vector<16xf32>
        %select_n3A_71 = arith.select %gt3A_70, %add3A_65, %select_n3A_55 : vector<16xi1>, vector<16xf32>
        %select_n3A_72 = arith.select %gt3A_70, %add3A_69, %select_n3A_56 : vector<16xi1>, vector<16xi32>
        %add3A_73 = arith.constant 48 : i32
        %add3A_74 = arith.addi %mul3A_27, %add3A_73 : i32
        %get3A_75 = arith.index_cast %add3A_74 : i32 to index
        %get3A_76 = tpu.vector_load %arg5[%get3A_75] {strides = array<i32>} : memref<16384xf32, #tpu.memory_space<vmem>>, vector<16xf32>,
        %add3A_77 = arith.constant 48 : i32
        %add3A_78 = arith.addi %mul3A_27, %add3A_77 : i32
        %get3A_79 = arith.index_cast %add3A_78 : i32 to index
        %get3A_80 = tpu.vector_load %arg6[%get3A_79] {strides = array<i32>} : memref<16384xf32, #tpu.memory_space<vmem>>, vector<16xf32>,
        %add3A_81 = arith.addf %get3A_76, %get3A_80 : vector<16xf32>
        %add3A_82 = arith.constant 48 : i32
        %add3A_83 = arith.addi %mul3A_27, %add3A_82 : i32
        %add3A_84 = vector.broadcast %add3A_83 : i32 to vector<16xi32>
        %add3A_85 = arith.addi %add3A_84, %iota3A : vector<16xi32>
        %gt3A_86 = arith.cmpf ogt, %add3A_81, %select_n3A_71 : vector<16xf32>
        %select_n3A_87 = arith.select %gt3A_86, %add3A_81, %select_n3A_71 : vector<16xi1>, vector<16xf32>
        %select_n3A_88 = arith.select %gt3A_86, %add3A_85, %select_n3A_72 : vector<16xi1>, vector<16xi32>
        %add3A_89 = arith.constant 64 : i32
        %add3A_90 = arith.addi %mul3A_27, %add3A_89 : i32
        %get3A_91 = arith.index_cast %add3A_90 : i32 to index
        %get3A_92 = tpu.vector_load %arg5[%get3A_91] {strides = array<i32>} : memref<16384xf32, #tpu.memory_space<vmem>>, vector<16xf32>,
        %add3A_93 = arith.constant 64 : i32
        %add3A_94 = arith.addi %mul3A_27, %add3A_93 : i32
        %get3A_95 = arith.index_cast %add3A_94 : i32 to index
        %get3A_96 = tpu.vector_load %arg6[%get3A_95] {strides = array<i32>} : memref<16384xf32, #tpu.memory_space<vmem>>, vector<16xf32>,
        %add3A_97 = arith.addf %get3A_92, %get3A_96 : vector<16xf32>
        %add3A_98 = arith.constant 64 : i32
        %add3A_99 = arith.addi %mul3A_27, %add3A_98 : i32
        %add3A_100 = vector.broadcast %add3A_99 : i32 to vector<16xi32>
        %add3A_101 = arith.addi %add3A_100, %iota3A : vector<16xi32>
        %gt3A_102 = arith.cmpf ogt, %add3A_97, %select_n3A_87 : vector<16xf32>
        %select_n3A_103 = arith.select %gt3A_102, %add3A_97, %select_n3A_87 : vector<16xi1>, vector<16xf32>
        %select_n3A_104 = arith.select %gt3A_102, %add3A_101, %select_n3A_88 : vector<16xi1>, vector<16xi32>
        %add3A_105 = arith.constant 80 : i32
        %add3A_106 = arith.addi %mul3A_27, %add3A_105 : i32
        %get3A_107 = arith.index_cast %add3A_106 : i32 to index
        %get3A_108 = tpu.vector_load %arg5[%get3A_107] {strides = array<i32>} : memref<16384xf32, #tpu.memory_space<vmem>>, vector<16xf32>,
        %add3A_109 = arith.constant 80 : i32
        %add3A_110 = arith.addi %mul3A_27, %add3A_109 : i32
        %get3A_111 = arith.index_cast %add3A_110 : i32 to index
        %get3A_112 = tpu.vector_load %arg6[%get3A_111] {strides = array<i32>} : memref<16384xf32, #tpu.memory_space<vmem>>, vector<16xf32>,
        %add3A_113 = arith.addf %get3A_108, %get3A_112 : vector<16xf32>
        %add3A_114 = arith.constant 80 : i32
        %add3A_115 = arith.addi %mul3A_27, %add3A_114 : i32
        %add3A_116 = vector.broadcast %add3A_115 : i32 to vector<16xi32>
        %add3A_117 = arith.addi %add3A_116, %iota3A : vector<16xi32>
        %gt3A_118 = arith.cmpf ogt, %add3A_113, %select_n3A_103 : vector<16xf32>
        %select_n3A_119 = arith.select %gt3A_118, %add3A_113, %select_n3A_103 : vector<16xi1>, vector<16xf32>
        %select_n3A_120 = arith.select %gt3A_118, %add3A_117, %select_n3A_104 : vector<16xi1>, vector<16xi32>
        %add3A_121 = arith.constant 96 : i32
        %add3A_122 = arith.addi %mul3A_27, %add3A_121 : i32
        %get3A_123 = arith.index_cast %add3A_122 : i32 to index
        %get3A_124 = tpu.vector_load %arg5[%get3A_123] {strides = array<i32>} : memref<16384xf32, #tpu.memory_space<vmem>>, vector<16xf32>,
        %add3A_125 = arith.constant 96 : i32
        %add3A_126 = arith.addi %mul3A_27, %add3A_125 : i32
        %get3A_127 = arith.index_cast %add3A_126 : i32 to index
        %get3A_128 = tpu.vector_load %arg6[%get3A_127] {strides = array<i32>} : memref<16384xf32, #tpu.memory_space<vmem>>, vector<16xf32>,
        %add3A_129 = arith.addf %get3A_124, %get3A_128 : vector<16xf32>
        %add3A_130 = arith.constant 96 : i32
        %add3A_131 = arith.addi %mul3A_27, %add3A_130 : i32
        %add3A_132 = vector.broadcast %add3A_131 : i32 to vector<16xi32>
        %add3A_133 = arith.addi %add3A_132, %iota3A : vector<16xi32>
        %gt3A_134 = arith.cmpf ogt, %add3A_129, %select_n3A_119 : vector<16xf32>
        %select_n3A_135 = arith.select %gt3A_134, %add3A_129, %select_n3A_119 : vector<16xi1>, vector<16xf32>
        %select_n3A_136 = arith.select %gt3A_134, %add3A_133, %select_n3A_120 : vector<16xi1>, vector<16xi32>
        %add3A_137 = arith.constant 112 : i32
        %add3A_138 = arith.addi %mul3A_27, %add3A_137 : i32
        %get3A_139 = arith.index_cast %add3A_138 : i32 to index
        %get3A_140 = tpu.vector_load %arg5[%get3A_139] {strides = array<i32>} : memref<16384xf32, #tpu.memory_space<vmem>>, vector<16xf32>,
        %add3A_141 = arith.constant 112 : i32
        %add3A_142 = arith.addi %mul3A_27, %add3A_141 : i32
        %get3A_143 = arith.index_cast %add3A_142 : i32 to index
        %get3A_144 = tpu.vector_load %arg6[%get3A_143] {strides = array<i32>} : memref<16384xf32, #tpu.memory_space<vmem>>, vector<16xf32>,
        %add3A_145 = arith.addf %get3A_140, %get3A_144 : vector<16xf32>
        %add3A_146 = arith.constant 112 : i32
        %add3A_147 = arith.addi %mul3A_27, %add3A_146 : i32
        %add3A_148 = vector.broadcast %add3A_147 : i32 to vector<16xi32>
        %add3A_149 = arith.addi %add3A_148, %iota3A : vector<16xi32>
        %gt3A_150 = arith.cmpf ogt, %add3A_145, %select_n3A_135 : vector<16xf32>
        %select_n3A_151 = arith.select %gt3A_150, %add3A_145, %select_n3A_135 : vector<16xi1>, vector<16xf32>
        %select_n3A_152 = arith.select %gt3A_150, %add3A_149, %select_n3A_136 : vector<16xi1>, vector<16xi32>
        scf.yield %select_n3A_151, %select_n3A_152 : vector<16xf32>, vector<16xi32>
      }
      %scan3A_9 = arith.constant 128 : i32
      %reduce_max3A = arith.constant true
      %reduce_max3A_10 = vector.broadcast %reduce_max3A : i1 to vector<16xi1>
      %reduce_max3A_11 = tpu.scan <max>, %scan3A_8#0 masked %reduce_max3A_10 : vector<16xf32>, vector<16xi1> -> vector<16xf32>
      %reduce_max3A_12 = vector.extract %reduce_max3A_11[15] : f32 from vector<16xf32>
      %eq3A = vector.broadcast %reduce_max3A_12 : f32 to vector<16xf32>
      %eq3A_13 = arith.cmpf oeq, %scan3A_8#0, %eq3A : vector<16xf32>
      %jit3A = arith.constant 2147483647 : i32
      %broadcast_in_dim3A_14 = vector.broadcast %jit3A : i32 to vector<16xi32>
      %select_n3A = arith.select %eq3A_13, %scan3A_8#1, %broadcast_in_dim3A_14 : vector<16xi1>, vector<16xi32>
      %reduce_min3A = arith.constant true
      %reduce_min3A_15 = vector.broadcast %reduce_min3A : i1 to vector<16xi1>
      %reduce_min3A_16 = arith.constant -2147483648 : i32
      %reduce_min3A_17 = vector.broadcast %reduce_min3A_16 : i32 to vector<16xi32>
      %reduce_min3A_18 = arith.xori %select_n3A, %reduce_min3A_17 : vector<16xi32>
      %reduce_min3A_19 = tpu.scan <min>, %reduce_min3A_18 masked %reduce_min3A_15 : vector<16xi32>, vector<16xi1> -> vector<16xi32>
      %reduce_min3A_20 = arith.xori %reduce_min3A_19, %reduce_min3A_17 : vector<16xi32>
      %reduce_min3A_21 = vector.extract %reduce_min3A_20[15] : i32 from vector<16xi32>
      %broadcast_in_dim3A_22 = vector.broadcast %reduce_min3A_21 : i32 to vector<16xi32>
      %swap3A = arith.constant 0 : index
      %swap3A_23 = tpu.vector_load %arg7[%swap3A] {strides = array<i32>} : memref<16xi32, #tpu.memory_space<vmem>>, vector<16xi32>,
      tpu.vector_store %arg7[%swap3A], %broadcast_in_dim3A_22 {strides = array<i32>} : memref<16xi32, #tpu.memory_space<vmem>>, vector<16xi32>,
      "tpu.region"() ({
        %run_scoped3A = tpu.sem_alloc : memref<!tpu.dma_semaphore, #tpu.memory_space<semaphore_mem>>
        %dma_start3A = arith.constant 0 : i32
        %dma_start3A_24 = tpu.memref_slice %arg4[%arg1, %dma_start3A] : memref<16x16xi32, #tpu.memory_space<hbm>> -> memref<1x16xi32, #tpu.memory_space<hbm>>
        %dma_start3A_25 = tpu.memref_squeeze %dma_start3A_24 : memref<1x16xi32, #tpu.memory_space<hbm>> -> memref<16xi32, #tpu.memory_space<hbm>>
        %dma_start3A_26 = arith.constant 0 : i32
        %dma_start3A_27 = tpu.memref_slice %arg4[%arg1, %dma_start3A_26] : memref<16x16xi32, #tpu.memory_space<hbm>> -> memref<1x16xi32, #tpu.memory_space<hbm>>
        %dma_start3A_28 = tpu.memref_squeeze %dma_start3A_27 : memref<1x16xi32, #tpu.memory_space<hbm>> -> memref<16xi32, #tpu.memory_space<hbm>>
        tpu.enqueue_dma source(%arg7 : memref<16xi32, #tpu.memory_space<vmem>>) target(%dma_start3A_28 : memref<16xi32, #tpu.memory_space<hbm>>) target_semaphore(%run_scoped3A : memref<!tpu.dma_semaphore, #tpu.memory_space<semaphore_mem>>)
        %dma_wait3A = arith.constant 0 : i32
        %dma_wait3A_29 = tpu.memref_slice %arg4[%arg1, %dma_wait3A] : memref<16x16xi32, #tpu.memory_space<hbm>> -> memref<1x16xi32, #tpu.memory_space<hbm>>
        %dma_wait3A_30 = tpu.memref_squeeze %dma_wait3A_29 : memref<1x16xi32, #tpu.memory_space<hbm>> -> memref<16xi32, #tpu.memory_space<hbm>>
        %dma_wait3A_31 = arith.constant 0 : i32
        %dma_wait3A_32 = tpu.memref_slice %arg4[%arg1, %dma_wait3A_31] : memref<16x16xi32, #tpu.memory_space<hbm>> -> memref<1x16xi32, #tpu.memory_space<hbm>>
        %dma_wait3A_33 = tpu.memref_squeeze %dma_wait3A_32 : memref<1x16xi32, #tpu.memory_space<hbm>> -> memref<16xi32, #tpu.memory_space<hbm>>
        tpu.wait_dma2 semaphore(%run_scoped3A : memref<!tpu.dma_semaphore, #tpu.memory_space<semaphore_mem>>) src(%arg7 : memref<16xi32, #tpu.memory_space<vmem>>) dst(%dma_wait3A_33 : memref<16xi32, #tpu.memory_space<hbm>>)
        tpu.yield
      }) : () -> ()
    } else {
    }
    return
  }
}

module attributes {stable_mosaic.version = 14 : i64} {
  func.func @_tc_body(%arg0: i32, %arg1: memref<16x1024x128xf32, #tpu.memory_space<vmem>>, %arg2: memref<8x128xf32, #tpu.memory_space<vmem>>, %arg3: memref<8x128xf32, #tpu.memory_space<vmem>>, %arg4: memref<16x1024xf32, #tpu.memory_space<vmem>>) attributes {dimension_semantics = [#tpu.dimension_semantics<arbitrary>], iteration_bounds = array<i64: 16>, scalar_prefetch = 0 : i64, scratch_operands = 0 : i64, tpu.core_type = #tpu.core_type<tc>, window_params = [{transform_indices = @transform_0, window_bounds = array<i64: 16, 1024, 128>}, {pipeline_mode = #tpu.pipeline_mode<synchronous>, transform_indices = @transform_1, window_bounds = array<i64: 8, 128>}, {pipeline_mode = #tpu.pipeline_mode<synchronous>, transform_indices = @transform_2, window_bounds = array<i64: 8, 128>}, {transform_indices = @transform_3, window_bounds = array<i64: 16, 1024>}]} {
    %get3A = arith.constant 0 : index
    %get3A_0 = arith.constant 0 : index
    %get3A_1 = arith.constant 0 : index
    %get3A_2 = vector.load %arg1[%get3A, %get3A_0, %get3A_1] : memref<16x1024x128xf32, #tpu.memory_space<vmem>>, vector<16x1024x128xf32>
    %reshape3A = vector.shape_cast %get3A_2 : vector<16x1024x128xf32> to vector<16384x128xf32>
    %get3A_3 = arith.constant 0 : index
    %get3A_4 = arith.constant 0 : index
    %get3A_5 = vector.load %arg2[%get3A_3, %get3A_4] : memref<8x128xf32, #tpu.memory_space<vmem>>, vector<8x128xf32>
    %dot_general3A = arith.constant dense<0.000000e+00> : vector<8x16384xf32>
    %dot_general3A_6 = tpu.matmul %get3A_5, %reshape3A, %dot_general3A {dimension_numbers = #tpu.dot_dimension_numbers<[1], [1], [0], [0], [0, 0, 1, 0], [], []>, transpose_lhs_hint = false} : vector<8x128xf32>, vector<16384x128xf32>, vector<8x16384xf32> -> vector<8x16384xf32>
    %slice3A = vector.extract_strided_slice %dot_general3A_6 {offsets = [0, 0], sizes = [1, 16384], strides = [1, 1]} : vector<8x16384xf32> to vector<1x16384xf32>
    %get3A_7 = arith.constant 0 : index
    %get3A_8 = arith.constant 0 : index
    %get3A_9 = vector.load %arg3[%get3A_7, %get3A_8] : memref<8x128xf32, #tpu.memory_space<vmem>>, vector<1x1xf32>
    %get3A_10 = vector.extract %get3A_9[0, 0] : f32 from vector<1x1xf32>
    %add3A = vector.broadcast %get3A_10 : f32 to vector<1x16384xf32>
    %add3A_11 = arith.addf %slice3A, %add3A : vector<1x16384xf32>
    %slice3A_12 = vector.extract_strided_slice %dot_general3A_6 {offsets = [1, 0], sizes = [1, 16384], strides = [1, 1]} : vector<8x16384xf32> to vector<1x16384xf32>
    %get3A_13 = arith.constant 0 : index
    %get3A_14 = arith.constant 1 : index
    %get3A_15 = vector.load %arg3[%get3A_13, %get3A_14] : memref<8x128xf32, #tpu.memory_space<vmem>>, vector<1x1xf32>
    %get3A_16 = vector.extract %get3A_15[0, 0] : f32 from vector<1x1xf32>
    %add3A_17 = vector.broadcast %get3A_16 : f32 to vector<1x16384xf32>
    %add3A_18 = arith.addf %slice3A_12, %add3A_17 : vector<1x16384xf32>
    %sub3A = arith.subf %add3A_18, %add3A_11 : vector<1x16384xf32>
    %sub3A_19 = arith.subf %add3A_11, %add3A_18 : vector<1x16384xf32>
    %exp3A = math.exp %sub3A : vector<1x16384xf32>
    %exp3A_20 = math.exp %sub3A_19 : vector<1x16384xf32>
    %ge3A = arith.cmpf oge, %add3A_18, %add3A_11 : vector<1x16384xf32>
    %jit3A = arith.constant 1.000000e+00 : f32
    %broadcast_in_dim3A = vector.broadcast %jit3A : f32 to vector<1x16384xf32>
    %select_n3A = arith.select %ge3A, %broadcast_in_dim3A, %exp3A : vector<1x16384xi1>, vector<1x16384xf32>
    %add3A_21 = arith.constant 1.000000e+00 : f32
    %add3A_22 = vector.broadcast %add3A_21 : f32 to vector<1x16384xf32>
    %add3A_23 = arith.addf %exp3A_20, %add3A_22 : vector<1x16384xf32>
    %add3A_24 = arith.constant 1.000000e+00 : f32
    %add3A_25 = vector.broadcast %add3A_24 : f32 to vector<1x16384xf32>
    %add3A_26 = arith.addf %add3A_25, %exp3A : vector<1x16384xf32>
    %select_n3A_27 = arith.select %ge3A, %add3A_23, %add3A_26 : vector<1x16384xi1>, vector<1x16384xf32>
    %div3A = arith.divf %select_n3A, %select_n3A_27 : vector<1x16384xf32>
    %slice3A_28 = vector.extract_strided_slice %div3A {offsets = [0, 0], sizes = [1, 1024], strides = [1, 1]} : vector<1x16384xf32> to vector<1x1024xf32>
    %swap3A = arith.constant 0 : index
    %swap3A_29 = arith.constant 0 : index
    %swap3A_30 = vector.load %arg4[%swap3A, %swap3A_29] : memref<16x1024xf32, #tpu.memory_space<vmem>>, vector<1x1024xf32>
    tpu.vector_store %arg4[%swap3A, %swap3A_29], %slice3A_28 {strides = array<i32>} : memref<16x1024xf32, #tpu.memory_space<vmem>>, vector<1x1024xf32>,
    %slice3A_31 = vector.extract_strided_slice %div3A {offsets = [0, 1024], sizes = [1, 1024], strides = [1, 1]} : vector<1x16384xf32> to vector<1x1024xf32>
    %swap3A_32 = arith.constant 1 : index
    %swap3A_33 = arith.constant 0 : index
    %swap3A_34 = vector.load %arg4[%swap3A_32, %swap3A_33] : memref<16x1024xf32, #tpu.memory_space<vmem>>, vector<1x1024xf32>
    tpu.vector_store %arg4[%swap3A_32, %swap3A_33], %slice3A_31 {strides = array<i32>} : memref<16x1024xf32, #tpu.memory_space<vmem>>, vector<1x1024xf32>,
    %slice3A_35 = vector.extract_strided_slice %div3A {offsets = [0, 2048], sizes = [1, 1024], strides = [1, 1]} : vector<1x16384xf32> to vector<1x1024xf32>
    %swap3A_36 = arith.constant 2 : index
    %swap3A_37 = arith.constant 0 : index
    %swap3A_38 = vector.load %arg4[%swap3A_36, %swap3A_37] : memref<16x1024xf32, #tpu.memory_space<vmem>>, vector<1x1024xf32>
    tpu.vector_store %arg4[%swap3A_36, %swap3A_37], %slice3A_35 {strides = array<i32>} : memref<16x1024xf32, #tpu.memory_space<vmem>>, vector<1x1024xf32>,
    %slice3A_39 = vector.extract_strided_slice %div3A {offsets = [0, 3072], sizes = [1, 1024], strides = [1, 1]} : vector<1x16384xf32> to vector<1x1024xf32>
    %swap3A_40 = arith.constant 3 : index
    %swap3A_41 = arith.constant 0 : index
    %swap3A_42 = vector.load %arg4[%swap3A_40, %swap3A_41] : memref<16x1024xf32, #tpu.memory_space<vmem>>, vector<1x1024xf32>
    tpu.vector_store %arg4[%swap3A_40, %swap3A_41], %slice3A_39 {strides = array<i32>} : memref<16x1024xf32, #tpu.memory_space<vmem>>, vector<1x1024xf32>,
    %slice3A_43 = vector.extract_strided_slice %div3A {offsets = [0, 4096], sizes = [1, 1024], strides = [1, 1]} : vector<1x16384xf32> to vector<1x1024xf32>
    %swap3A_44 = arith.constant 4 : index
    %swap3A_45 = arith.constant 0 : index
    %swap3A_46 = vector.load %arg4[%swap3A_44, %swap3A_45] : memref<16x1024xf32, #tpu.memory_space<vmem>>, vector<1x1024xf32>
    tpu.vector_store %arg4[%swap3A_44, %swap3A_45], %slice3A_43 {strides = array<i32>} : memref<16x1024xf32, #tpu.memory_space<vmem>>, vector<1x1024xf32>,
    %slice3A_47 = vector.extract_strided_slice %div3A {offsets = [0, 5120], sizes = [1, 1024], strides = [1, 1]} : vector<1x16384xf32> to vector<1x1024xf32>
    %swap3A_48 = arith.constant 5 : index
    %swap3A_49 = arith.constant 0 : index
    %swap3A_50 = vector.load %arg4[%swap3A_48, %swap3A_49] : memref<16x1024xf32, #tpu.memory_space<vmem>>, vector<1x1024xf32>
    tpu.vector_store %arg4[%swap3A_48, %swap3A_49], %slice3A_47 {strides = array<i32>} : memref<16x1024xf32, #tpu.memory_space<vmem>>, vector<1x1024xf32>,
    %slice3A_51 = vector.extract_strided_slice %div3A {offsets = [0, 6144], sizes = [1, 1024], strides = [1, 1]} : vector<1x16384xf32> to vector<1x1024xf32>
    %swap3A_52 = arith.constant 6 : index
    %swap3A_53 = arith.constant 0 : index
    %swap3A_54 = vector.load %arg4[%swap3A_52, %swap3A_53] : memref<16x1024xf32, #tpu.memory_space<vmem>>, vector<1x1024xf32>
    tpu.vector_store %arg4[%swap3A_52, %swap3A_53], %slice3A_51 {strides = array<i32>} : memref<16x1024xf32, #tpu.memory_space<vmem>>, vector<1x1024xf32>,
    %slice3A_55 = vector.extract_strided_slice %div3A {offsets = [0, 7168], sizes = [1, 1024], strides = [1, 1]} : vector<1x16384xf32> to vector<1x1024xf32>
    %swap3A_56 = arith.constant 7 : index
    %swap3A_57 = arith.constant 0 : index
    %swap3A_58 = vector.load %arg4[%swap3A_56, %swap3A_57] : memref<16x1024xf32, #tpu.memory_space<vmem>>, vector<1x1024xf32>
    tpu.vector_store %arg4[%swap3A_56, %swap3A_57], %slice3A_55 {strides = array<i32>} : memref<16x1024xf32, #tpu.memory_space<vmem>>, vector<1x1024xf32>,
    %slice3A_59 = vector.extract_strided_slice %div3A {offsets = [0, 8192], sizes = [1, 1024], strides = [1, 1]} : vector<1x16384xf32> to vector<1x1024xf32>
    %swap3A_60 = arith.constant 8 : index
    %swap3A_61 = arith.constant 0 : index
    %swap3A_62 = vector.load %arg4[%swap3A_60, %swap3A_61] : memref<16x1024xf32, #tpu.memory_space<vmem>>, vector<1x1024xf32>
    tpu.vector_store %arg4[%swap3A_60, %swap3A_61], %slice3A_59 {strides = array<i32>} : memref<16x1024xf32, #tpu.memory_space<vmem>>, vector<1x1024xf32>,
    %slice3A_63 = vector.extract_strided_slice %div3A {offsets = [0, 9216], sizes = [1, 1024], strides = [1, 1]} : vector<1x16384xf32> to vector<1x1024xf32>
    %swap3A_64 = arith.constant 9 : index
    %swap3A_65 = arith.constant 0 : index
    %swap3A_66 = vector.load %arg4[%swap3A_64, %swap3A_65] : memref<16x1024xf32, #tpu.memory_space<vmem>>, vector<1x1024xf32>
    tpu.vector_store %arg4[%swap3A_64, %swap3A_65], %slice3A_63 {strides = array<i32>} : memref<16x1024xf32, #tpu.memory_space<vmem>>, vector<1x1024xf32>,
    %slice3A_67 = vector.extract_strided_slice %div3A {offsets = [0, 10240], sizes = [1, 1024], strides = [1, 1]} : vector<1x16384xf32> to vector<1x1024xf32>
    %swap3A_68 = arith.constant 10 : index
    %swap3A_69 = arith.constant 0 : index
    %swap3A_70 = vector.load %arg4[%swap3A_68, %swap3A_69] : memref<16x1024xf32, #tpu.memory_space<vmem>>, vector<1x1024xf32>
    tpu.vector_store %arg4[%swap3A_68, %swap3A_69], %slice3A_67 {strides = array<i32>} : memref<16x1024xf32, #tpu.memory_space<vmem>>, vector<1x1024xf32>,
    %slice3A_71 = vector.extract_strided_slice %div3A {offsets = [0, 11264], sizes = [1, 1024], strides = [1, 1]} : vector<1x16384xf32> to vector<1x1024xf32>
    %swap3A_72 = arith.constant 11 : index
    %swap3A_73 = arith.constant 0 : index
    %swap3A_74 = vector.load %arg4[%swap3A_72, %swap3A_73] : memref<16x1024xf32, #tpu.memory_space<vmem>>, vector<1x1024xf32>
    tpu.vector_store %arg4[%swap3A_72, %swap3A_73], %slice3A_71 {strides = array<i32>} : memref<16x1024xf32, #tpu.memory_space<vmem>>, vector<1x1024xf32>,
    %slice3A_75 = vector.extract_strided_slice %div3A {offsets = [0, 12288], sizes = [1, 1024], strides = [1, 1]} : vector<1x16384xf32> to vector<1x1024xf32>
    %swap3A_76 = arith.constant 12 : index
    %swap3A_77 = arith.constant 0 : index
    %swap3A_78 = vector.load %arg4[%swap3A_76, %swap3A_77] : memref<16x1024xf32, #tpu.memory_space<vmem>>, vector<1x1024xf32>
    tpu.vector_store %arg4[%swap3A_76, %swap3A_77], %slice3A_75 {strides = array<i32>} : memref<16x1024xf32, #tpu.memory_space<vmem>>, vector<1x1024xf32>,
    %slice3A_79 = vector.extract_strided_slice %div3A {offsets = [0, 13312], sizes = [1, 1024], strides = [1, 1]} : vector<1x16384xf32> to vector<1x1024xf32>
    %swap3A_80 = arith.constant 13 : index
    %swap3A_81 = arith.constant 0 : index
    %swap3A_82 = vector.load %arg4[%swap3A_80, %swap3A_81] : memref<16x1024xf32, #tpu.memory_space<vmem>>, vector<1x1024xf32>
    tpu.vector_store %arg4[%swap3A_80, %swap3A_81], %slice3A_79 {strides = array<i32>} : memref<16x1024xf32, #tpu.memory_space<vmem>>, vector<1x1024xf32>,
    %slice3A_83 = vector.extract_strided_slice %div3A {offsets = [0, 14336], sizes = [1, 1024], strides = [1, 1]} : vector<1x16384xf32> to vector<1x1024xf32>
    %swap3A_84 = arith.constant 14 : index
    %swap3A_85 = arith.constant 0 : index
    %swap3A_86 = vector.load %arg4[%swap3A_84, %swap3A_85] : memref<16x1024xf32, #tpu.memory_space<vmem>>, vector<1x1024xf32>
    tpu.vector_store %arg4[%swap3A_84, %swap3A_85], %slice3A_83 {strides = array<i32>} : memref<16x1024xf32, #tpu.memory_space<vmem>>, vector<1x1024xf32>,
    %slice3A_87 = vector.extract_strided_slice %div3A {offsets = [0, 15360], sizes = [1, 1024], strides = [1, 1]} : vector<1x16384xf32> to vector<1x1024xf32>
    %swap3A_88 = arith.constant 15 : index
    %swap3A_89 = arith.constant 0 : index
    %swap3A_90 = vector.load %arg4[%swap3A_88, %swap3A_89] : memref<16x1024xf32, #tpu.memory_space<vmem>>, vector<1x1024xf32>
    tpu.vector_store %arg4[%swap3A_88, %swap3A_89], %slice3A_87 {strides = array<i32>} : memref<16x1024xf32, #tpu.memory_space<vmem>>, vector<1x1024xf32>,
    return
  }
  func.func @transform_0(%arg0: i32) -> (i32, i32, i32) {
    %c0_i32 = arith.constant 0 : i32
    %c0_i32_0 = arith.constant 0 : i32
    %c0_i32_1 = arith.constant 0 : i32
    return %c0_i32, %arg0, %c0_i32_0 : i32, i32, i32
  }
  func.func @transform_1(%arg0: i32) -> (i32, i32) {
    %c0_i32 = arith.constant 0 : i32
    %c0_i32_0 = arith.constant 0 : i32
    %c0_i32_1 = arith.constant 0 : i32
    return %c0_i32, %c0_i32_0 : i32, i32
  }
  func.func @transform_2(%arg0: i32) -> (i32, i32) {
    %c0_i32 = arith.constant 0 : i32
    %c0_i32_0 = arith.constant 0 : i32
    %c0_i32_1 = arith.constant 0 : i32
    return %c0_i32, %c0_i32_0 : i32, i32
  }
  func.func @transform_3(%arg0: i32) -> (i32, i32) {
    %c0_i32 = arith.constant 0 : i32
    %c0_i32_0 = arith.constant 0 : i32
    return %c0_i32, %arg0 : i32, i32
  }
}

</mosaic_0001>

<sc_bundles>
// kernel: kernel.6.cloned.1.call-start
scs
__scs_entry_jumppad:
0x0: {  	(pc) =	sbr.rel $0x88, $3  }
0x1: {  	(tag) =	ssettag $0x0;
	lr =	simm.s32 $0x1  }
0x2: {  	[smem:$0x3F9E] =	sst lr;
	_ =	strace $0xD0000000  }
0x3: {  	_ = 	snop  }
0x4: {  	_ = 	snop  }
0x5: {  	_ = 	snop  }
0x6: {  	_ = 	snop  }
0x7: {  	_ = 	snop  }
__scs_overlays_trampoline_lowered:
0x8: {  	[smem:$0x3FAD] =	sst s0  }
0x9: {  	[smem:$0x3FAE] =	sst s1  }
0xa: {  	[smem:$0x3FAF] =	sst s2  }
0xb: {  	[smem:$0x3FB0] =	sst s3  }
0xc: {  	[smem:$0x3FB1] =	sst s4  }
0xd: {  	[smem:$0x3FB2] =	sst s5  }
0xe: {  	[smem:$0x3FB3] =	sst s6  }
0xf: {  	[smem:$0x3FB4] =	sst s7  }
0x10: {  	[smem:$0x3FB5] =	sst s8  }
0x11: {  	[smem:$0x3FB6] =	sst s9;
	s0 =	simm.s32 @!p0 $0x0  }
0x12: {  	s1 =	sld [smem:$0x3F9C];
	s0 =	simm.s32 @p0 $0x1  }
0x13: {  	[smem:$0x3FB7] =	sst s0;
	s0 =	simm.s32 @!p1 $0x0  }
0x14: {  	s2 =	sld [smem:$0x3F9B];
	s0 =	simm.s32 @p1 $0x1  }
0x15: {  	[smem:$0x3FB8] =	sst s0;
	s0 =	simm.s32 @!p2 $0x0  }
0x16: {  	s3 =	sld [smem:$0x3FDB];
	s0 =	simm.s32 @p2 $0x1  }
0x17: {  	s4 =	simm.s32 $0x1BF5;
	[smem:$0x3FBA] =	sst s0  }
0x18: {  	s0 =	sld [smem:$0x3F9D];
	_ =	swait.ge [sflag:s4], $0x0  }
0x19: {  	s7 =	sld [smem:$0x3F9E]  }
0x1a: {  	s8 =	sadd.s32 $0xFFFFE003, lr  }
0x1b: {  	s9 =	sadd.s32 $0xFFFFFEF7, lr;
	s5 =	simm.s32 $0xFFFFFFFF;
	p2 =	slt.u32 s8, $0xFFFFF086  }
0x1c: {  	p1 =	slt.u32 s9, $0xF7A;
	s5 =	simm.s32 @!p2 $0x0  }
0x1d: {  	s5 =	simm.s32 @p1 $0x1;
	p0 =	seq.s32 s7, s2  }
0x1e: {  	s7 =	smul.u32 @!p0 $0xF7A, s2;
	p2 =	seq.s32 @!p0 s5, $0x0  }
0x1f: {  	s9 =	smul.u32 $0xF7A, s1;
	s8 =	simm.s32 @!p0 $0x1BF5;
	p2 =	por !p2, p0  }
0x20: {  	[sflag:s8] =	ssyncset.s32 @!p0 $0xFFFFF086;
	s6 =	sadd.s32 @!p0 s3, s7;
	s7 =	simm.s32 @!p0 $0x108  }
0x21: {  	s3 =	sadd.s32 s3, s9;
	s6 =	sadd.s32 @!p0 $0x88, s6;
	s7 =	simm.s32 @p2 $0x1082  }
0x22: {  	[simem:s7], [sflag:s8] =	dma.local @!p0 [hbm:s6], $0xF7A  }
0x23: {  	s9 =	sor.u32 $0xD0000000, s2;
	s6 =	simm.s32 $0x108;
	_ =	swait.ge @!p0 [sflag:s8], $0x0  }
0x24: {  	s3 =	sadd.s32 $0x88, s3;
	s6 =	simm.s32 @!p1 $0x1082;
	[sflag:s4] =	ssyncset.s32 $0xFFFFF086  }
0x25: {  	[simem:s6], [sflag:s4] =	dma.local [hbm:s3], $0xF7A  }
0x26: {  	[smem:$0x3F9E] =	sst s1;
	(tag) =	ssettag s2;
	_ =	strace s9  }
0x27: {  	s1 =	sld [smem:$0x3FAE]  }
0x28: {  	s2 =	sld [smem:$0x3FAF]  }
0x29: {  	s4 =	sld [smem:$0x3FB1]  }
0x2a: {  	p0 =	seq.s32 s5, $0x0;
	s5 =	sld [smem:$0x3FB2]  }
0x2b: {  	s6 =	sld [smem:$0x3FB3]  }
0x2c: {  	s7 =	sld [smem:$0x3FB4]  }
0x2d: {  	s3 =	simm.s32 $0x108;
	s8 =	sld [smem:$0x3FB5]  }
0x2e: {  	s3 =	simm.s32 @!p0 $0x1082;
	s9 =	sld [smem:$0x3FB6]  }
0x2f: {  	lr =	sadd.s32 s0, s3;
	s0 =	sld [smem:$0x3FAD]  }
0x30: {  	s3 =	sld [smem:$0x3FB0]  }
0x31: {  	[smem:$0x3FB9] =	sst s10  }
0x32: {  	s10 =	sld [smem:$0x3FB7];
	_ =	sdelay $0x3  }
0x33: {  	p0 =	seq.s32 s10, $0x1;
	s10 =	sld [smem:$0x3FB9];
	_ =	sdelay $0x3  }
0x34: {  	[smem:$0x3FB9] =	sst s10  }
0x35: {  	s10 =	sld [smem:$0x3FB8];
	_ =	sdelay $0x3  }
0x36: {  	p1 =	seq.s32 s10, $0x1;
	s10 =	sld [smem:$0x3FB9];
	_ =	sdelay $0x3  }
0x37: {  	[smem:$0x3FB9] =	sst s10  }
0x38: {  	s10 =	sld [smem:$0x3FBA]  }
0x39: {  	_ = 	snop;
	(pc) =	sbr.ind lr, $3  }
0x3a: {  	_ = 	snop  }
0x3b: {  	_ = 	snop  }
0x3c: {  	p2 =	seq.s32 s10, $0x1;
	s10 =	sld [smem:$0x3FB9]  }
0x3d: {  	_ =	shalt  }
0x3e: {  	_ =	shalt  }
0x3f: {  	_ =	shalt  }
0x40: {  	_ =	shalt  }
0x41: {  	_ =	shalt  }
0x42: {  	_ =	shalt  }
0x43: {  	_ =	shalt  }
0x44: {  	_ =	shalt  }
0x45: {  	_ =	shalt  }
0x46: {  	_ =	shalt  }
0x47: {  	_ =	shalt  }
0x48: {  	_ =	shalt  }
0x49: {  	_ =	shalt  }
0x4a: {  	_ =	shalt  }
0x4b: {  	_ =	shalt  }
0x4c: {  	_ =	shalt  }
0x4d: {  	_ =	shalt  }
0x4e: {  	_ =	shalt  }
0x4f: {  	_ =	shalt  }
0x50: {  	_ =	shalt  }
0x51: {  	_ =	shalt  }
0x52: {  	_ =	shalt  }
0x53: {  	_ =	shalt  }
0x54: {  	_ =	shalt  }
0x55: {  	_ =	shalt  }
0x56: {  	_ =	shalt  }
0x57: {  	_ =	shalt  }
0x58: {  	_ =	shalt  }
0x59: {  	_ =	shalt  }
0x5a: {  	_ =	shalt  }
0x5b: {  	_ =	shalt  }
0x5c: {  	_ =	shalt  }
0x5d: {  	_ =	shalt  }
0x5e: {  	_ =	shalt  }
0x5f: {  	_ =	shalt  }
0x60: {  	_ =	shalt  }
0x61: {  	_ =	shalt  }
0x62: {  	_ =	shalt  }
0x63: {  	_ =	shalt  }
0x64: {  	_ =	shalt  }
0x65: {  	_ =	shalt  }
0x66: {  	_ =	shalt  }
0x67: {  	_ =	shalt  }
0x68: {  	_ =	shalt  }
0x69: {  	_ =	shalt  }
0x6a: {  	_ =	shalt  }
0x6b: {  	_ =	shalt  }
0x6c: {  	_ =	shalt  }
0x6d: {  	_ =	shalt  }
0x6e: {  	_ =	shalt  }
0x6f: {  	_ =	shalt  }
0x70: {  	_ =	shalt  }
0x71: {  	_ =	shalt  }
0x72: {  	_ =	shalt  }
0x73: {  	_ =	shalt  }
0x74: {  	_ =	shalt  }
0x75: {  	_ =	shalt  }
0x76: {  	_ =	shalt  }
0x77: {  	_ =	shalt  }
0x78: {  	_ =	shalt  }
0x79: {  	_ =	shalt  }
0x7a: {  	_ =	shalt  }
0x7b: {  	_ =	shalt  }
0x7c: {  	_ =	shalt  }
0x7d: {  	_ =	shalt  }
0x7e: {  	_ =	shalt  }
0x7f: {  	_ =	shalt  }
0x80: {  	_ =	shalt  }
0x81: {  	_ =	shalt  }
0x82: {  	_ =	shalt  }
0x83: {  	_ =	shalt  }
0x84: {  	_ =	shalt  }
0x85: {  	_ =	shalt  }
0x86: {  	_ =	shalt  }
0x87: {  	_ =	shalt  }
.Lfunc_end0:
.L_simem_size_0:
called_computation_lowered:
.L_overlay_start_0:
0x88: {  	s0 =	sld [smem:$0x3FD9]  }
0x89: {  	s1 =	sld [smem:$0x3FFE];
	_ =	sdelay $0x3  }
0x8a: {  	s0 =	sadd.s32 s1, s0  }
0x8b: {  	[smem:$0x3FC5] =	sst s0  }
0x8c: {  	_ = 	snop  }
0x8d: {  	s0 =	sld [smem:$0x3FD0];
	_ =	sdelay $0x2  }
0x8e: {  	s13 =	simm.s32 $0xA;
	s2 =	simm.s32 $0x10  }
0x8f: {  	[smem:s2], [sflag:s13] =	dma.local [hbm:s0], $0x1  }
0x90: {  	_ =	swait.eq [sflag:s13], $0x1  }
0x91: {  	[sflag:s13] =	ssyncset.done $0x0  }
0x92: {  	[sflag:s13] =	ssyncadd.s32 $0xFFFFFFFF  }
0x93: {  	s14 =	sld [smem:$0x10];
	(tm) =	ssettm $0x1  }
0x94: {  	s15 =	sld [smem:$0x3FFB];
	_ =	sdelay $0x3  }
0x95: {  	_ =	strace s15  }
0x96: {  	s1 =	sld [smem:$0x3FFC];
	_ =	sdelay $0x3  }
0x97: {  	_ =	strace s1  }
0x98: {  	s1 =	sld [smem:$0x3FFD];
	_ =	sdelay $0x3  }
0x99: {  	_ =	strace s1  }
0x9a: {  	_ =	strace $0x8FFFFFFF  }
0x9b: {  	s16 =	sld [smem:$0x3FDB];
	_ =	sdelay $0x1  }
0x9c: {  	s17 =	simm.s32 $_scs_section_size  }
0x9d: {  	s3 =	simm.s32 $_size__tile_overlayer_lowered;
	s4 =	simm.s32 $_tile_overlayer_lowered  }
0x9e: {  	s20 =	simm.s32 $0x1BFF;
	s19 =	sshll.u32 s4, $0x1;
	s1 =	sadd.s32 s17, s16  }
0x9f: {  	s5 =	simm.s32 $0x0;
	s18 =	sshll.u32 s3, $0x1;
	s3 =	sadd.s32 s19, s1  }
0xa0: {  	[timem:s5], [sflag:s20] =	dma.local [hbm:s3], s18  }
0xa1: {  	_ =	swait.ge [sflag:s20], s18  }
0xa2: {  	s2 =	ssub.s32 $0x0, s18;
	[sflag:s20] =	ssyncset.done $0x0  }
0xa3: {  	[sflag:s20] =	ssyncadd.s32 s2;
	_ =	sdelay $0x1  }
0xa4: {  	s21 =	simm.s32 $0x1B8B  }
0xa5: {  	_ =	swait.ge [sflag:s21], $0x1  }
0xa6: {  	[sflag:s21] =	ssyncset.done $0x0  }
0xa7: {  	s23 =	simm.s32 $0x1B8E;
	s22 =	sld [smem:$0x3FFE];
	[sflag:s21] =	ssyncadd.s32 $0xFFFFFFFF  }
0xa8: {  	s24 =	simm.s32 $execute0_lowered;
	[smem:$0x3FD2] =	sst s23  }
0xa9: {  	s3 =	sshll.u32 s24, $0x1;
	_ =	strace $0x80000046;
	[dreg:$0x1] =	wrdreg $0xFFFFFFFF  }
0xaa: {  	s25 =	simm.s32 $_size_execute0_lowered;
	s1 =	sadd.s32 s1, s3;
	[dreg:$0x0] =	wrdreg $0x0  }
0xab: {  	s3 =	sshll.u32 s25, $0x1;
	[dreg:$0x2] =	wrdreg s1  }
0xac: {  	[dreg:$0x3] =	wrdreg s3  }
0xad: {  	[dreg:$0x4] =	wrdreg $0xC0  }
0xae: {  	_ =	task [dreg:s5], $0x5FFFF  }
0xaf: {  	[dreg:$0x1] =	wrdreg $0xFFFFFFFF  }
0xb0: {  	[dreg:$0x0] =	wrdreg $0x60  }
0xb1: {  	[dreg:$0x2] =	wrdreg s14  }
0xb2: {  	[dreg:$0x3] =	wrdreg s22  }
0xb3: {  	[dreg:$0x4] =	wrdreg $0x9  }
0xb4: {  	_ =	task.clear_ibuf [dreg:s5], $0x5FFFF;
	_ =	strace $0x90000046  }
0xb5: {  	s26 =	simm.s32 $0x9;
	_ =	strace $0x80000048  }
0xb6: {  	_ =	swait.ge [sflag:s26], $0x1  }
0xb7: {  	[sflag:s26] =	ssyncadd.s32 $0xFFFFFFFF  }
0xb8: {  	_ =	strace $0x90000048  }
0xb9: {  	_ =	sfence  }
0xba: {  	s28 =	sld [smem:$0x0];
	_ =	sdelay $0x1  }
0xbb: {  	s29 =	srdreg.scid  }
0xbc: {  	s30 =	sshll.u32 s29, $0xD;
	s31 =	sshrl.u32 s29, $0x2  }
0xbd: {  	s2 =	sand.u32 $0x4000, s30;
	s1 =	sand.u32 $0x1, s29;
	s0 =	sadd.s32 s31, s28  }
0xbe: {  	s1 =	sor.u32 s2, s1;
	s0 =	sshll.u32 s0, $0x11  }
0xbf: {  	s0 =	sor.u32 s0, s1  }
0xc0: {  	s0 =	sadd.s32 $0x8F2B, s0  }
0xc1: {  	[sflag:s0] =	ssyncadd.remote.s32 $0x1  }
0xc2: {  	_ =	sfence.sel $0xFFFF  }
0xc3: {  	[dreg:$0x0] =	wrdreg $0xFFFFFFFF;
	(pc) =	sbr.abs _section_cstart, $3  }
0xc4: {  	[dreg:$0x1] =	wrdreg $0xFFFFFFFF  }
0xc5: {  	_ =	task.clear_ibuf [dreg:s5], $0x2FFFF;
	_ =	strace $0x9FFFFFFF  }
0xc6: {  	(tm) =	ssettm $0x7FFFFFFF  }
0xc7: {  	_ =	shalt  }
tec
execute0_lowered:
.L_overlay_start_1:
0x0: {  	(tag) =	ssettag $0x1  }
0x1: {  	s5 =	rddreg [dreg:$0x0];
	s1 =	stileid.u32  }
0x2: {  	s4 =	rddreg [dreg:$0x1];
	s2 =	sshrl.u32 s1, $0x3;
	s3 =	sshll.u32 s1, $0x7  }
0x3: {  	s0 =	rddreg [dreg:$0x2];
	s3 =	sand.u32 $0x380, s3;
	s7 =	sshll.u32 s2, $0x11  }
0x4: {  	s6 =	simm.s32 $0x0;
	s8 =	simm.s32 $0x80;
	s7 =	sor.u32 s3, s7  }
0x5: {  	s9 =	simm.s32 $0x400;
	[smem:$0x7FF] =	sst s6;
	s7 =	sshrl.u32 s7, $0x3  }
0x6: {  	s21 =	simm.s32 $0x1;
	_ =	strace $0x80000047;
	s5 =	sadd.s32 s5, s7  }
0x7: {  	[tilespmem:s6], [sflag:$0x1] =	stream.strided.gather [hbm4b:s5+s8], $0x4000, s9, s8, $0x38;
	[tilespmem:$0x8080] =	vst v63  }
0x8: {  	_ =	swait.ge [sflag:s21], $0x4000  }
0x9: {  	s22 =	sadd.s32 s7, s4;
	[sflag:s21] =	ssyncset.done $0x0  }
0xa: {  	s23 =	simm.s32 $0x4000;
	s6 =	sadd.s32 $0x200, s22;
	[sflag:s21] =	ssyncadd.s32 $0xFFFFC000  }
0xb: {  	[tilespmem:s23], [sflag:$0x1] =	stream.strided.gather [hbm4b:s6+s8], $0x4000, s9, s8, $0x38;
	[tilespmem:$0x8080] =	vst v63  }
0xc: {  	_ =	swait.ge [sflag:s21], $0x4000  }
0xd: {  	[sflag:s21] =	ssyncset.done $0x0  }
0xe: {  	s24 =	simm.s32 $0x40;
	[sflag:s21] =	ssyncadd.s32 $0xFFFFC000  }
0xf: {  	s25 =	simm.s32 $0x4040;
	v0 =	vld [tilespmem:s24+$0xFFFFFFC0]  }
0x10: {  	v1 =	vld [tilespmem:s25+$0xFFFFFFC0]  }
0x11: {  	v2 =	vld [tilespmem:s24+$0xFFFFFFD0]  }
0x12: {  	v3 =	vld [tilespmem:s25+$0xFFFFFFD0]  }
0x13: {  	v4 =	vld [tilespmem:s24+$0xFFFFFFE0]  }
0x14: {  	v5 =	vld [tilespmem:s25+$0xFFFFFFE0]  }
0x15: {  	v6 =	vld [tilespmem:s24+$0xFFFFFFF0];
	v1 =	vadd.f32 v1, v0  }
0x16: {  	v7 =	vimm.f32 $-Inf;
	v8 =	vld [tilespmem:s25+$0xFFFFFFF0]  }
0x17: {  	v2 =	vadd.f32 v3, v2;
	v3 =	vld [tilespmem:s24+$0x0];
	vm0 =	vgt.f32 v1, v7  }
0x18: {  	v9 =	vimm.s32 $0x0;
	s26 =	simm.s32 $0x0;
	v0 =	vlaneseq.u32;
	v1 =	vsel vm0, v1, v7;
	v7 =	vld [tilespmem:s25+$0x0]  }
0x19: {  	v11 =	vld [tilespmem:s24+$0x10];
	v4 =	vadd.f32 v5, v4;
	v10 =	vor.u32 s26, v0;
	vm1 =	vgt.f32 v2, v1  }
0x1a: {  	s28 =	simm.s32 $0x10;
	v5 =	vsel vm0, v10, v9;
	v9 =	vld [tilespmem:s25+$0x10];
	v2 =	vsel vm1, v2, v1  }
0x1b: {  	s31 =	simm.s32 $0x40;
	v6 =	vadd.f32 v8, v6;
	v10 =	vor.u32 s28, v0;
	v1 =	vld [tilespmem:s24+$0x20];
	vm13 =	vgt.f32 v4, v2  }
0x1c: {  	s29 =	simm.s32 $0x20;
	v13 =	vor.u32 s31, v0;
	v5 =	vsel vm1, v10, v5;
	v8 =	vsel vm13, v4, v2;
	v4 =	vld [tilespmem:s25+$0x20]  }
0x1d: {  	s30 =	simm.s32 $0x30;
	v10 =	vor.u32 s29, v0;
	v2 =	vld [tilespmem:s24+$0x30];
	vm14 =	vgt.f32 v6, v8;
	v3 =	vadd.f32 v7, v3  }
0x1e: {  	s7 =	simm.s32 $0xC0;
	v5 =	vsel vm13, v10, v5;
	v7 =	vor.u32 s30, v0;
	v10 =	vsel vm14, v6, v8;
	v6 =	vld [tilespmem:s25+$0x30]  }
0x1f: {  	s10 =	simm.s32 $0x50;
	s4 =	sadd.s32 $0x8200, s4;
	s8 =	simm.s32 $0x40C0;
	v12 =	vsel vm14, v7, v5;
	v5 =	vld [tilespmem:s7+$0xFFFFFFC0];
	v8 =	vadd.f32 v9, v11;
	vm15 =	vgt.f32 v3, v10  }
0x20: {  	s5 =	simm.s32 $0xF0;
	s6 =	simm.s32 $0x70;
	s9 =	simm.s32 $0x170;
	v7 =	vld [tilespmem:s8+$0xFFFFFFC0];
	v9 =	vsel vm15, v3, v10;
	v3 =	vsel vm15, v13, v12  }
.LBB2_1:
0x21: {  	p0 =	sne.s32 s9, $0x3FF0;
	v10 =	vld [tilespmem:s7+$0xFFFFFFD0];
	v11 =	vor.u32 s10, v0;
	vm0 =	vgt.f32 v8, v9;
	v1 =	vadd.f32 v4, v1  }
0x22: {  	s10 =	sadd.s32 $0xFFFFFFF0, s6;
	v4 =	vld [tilespmem:s8+$0xFFFFFFD0];
	v8 =	vsel vm0, v8, v9;
	v3 =	vsel vm0, v11, v3  }
0x23: {  	v11 =	vor.u32 s10, v0;
	v9 =	vld [tilespmem:s7+$0xFFFFFFE0];
	vm0 =	vgt.f32 v1, v8;
	v2 =	vadd.f32 v6, v2  }
0x24: {  	v6 =	vld [tilespmem:s8+$0xFFFFFFE0];
	v1 =	vsel vm0, v1, v8;
	v3 =	vsel vm0, v11, v3  }
0x25: {  	v8 =	vor.u32 s6, v0;
	s6 =	smov.u32 s5;
	s5 =	smov.u32 s9;
	v5 =	vadd.f32 v7, v5;
	v7 =	vld [tilespmem:s7+$0xFFFFFFF0];
	vm0 =	vgt.f32 v2, v1  }
0x26: {  	s10 =	sadd.s32 $0xFFFFFF90, s6;
	v11 =	vld [tilespmem:s8+$0xFFFFFFF0];
	v1 =	vsel vm0, v2, v1;
	v2 =	vsel vm0, v8, v3  }
0x27: {  	v3 =	vor.u32 s10, v0;
	vm0 =	vgt.f32 v5, v1;
	v4 =	vadd.f32 v4, v10;
	v8 =	vld [tilespmem:s7+$0x0]  }
0x28: {  	s10 =	sadd.s32 $0xFFFFFFA0, s6;
	v1 =	vsel vm0, v5, v1;
	v2 =	vsel vm0, v3, v2;
	v3 =	vld [tilespmem:s8+$0x0]  }
0x29: {  	v5 =	vor.u32 s10, v0;
	vm0 =	vgt.f32 v4, v1;
	v6 =	vadd.f32 v6, v9;
	v9 =	vld [tilespmem:s7+$0x10]  }
0x2a: {  	s10 =	sadd.s32 $0xFFFFFFB0, s6;
	v4 =	vsel vm0, v4, v1;
	v2 =	vsel vm0, v5, v2;
	v10 =	vld [tilespmem:s8+$0x10]  }
0x2b: {  	v5 =	vor.u32 s10, v0;
	vm0 =	vgt.f32 v6, v4;
	v7 =	vadd.f32 v11, v7;
	v1 =	vld [tilespmem:s7+$0x20]  }
.Ltmp0:
0x2c: {  	s10 =	sadd.s32 $0xFFFFFFC0, s6;
	v6 =	vsel vm0, v6, v4;
	v5 =	vsel vm0, v5, v2;
	v4 =	vld [tilespmem:s8+$0x20];
	(pc) =	sbr.rel @p0 .LBB2_1-.Ltmp0, $4  }
0x2d: {  	v11 =	vor.u32 s10, v0;
	vm0 =	vgt.f32 v7, v6;
	v3 =	vadd.f32 v3, v8;
	v2 =	vld [tilespmem:s7+$0x30]  }
0x2e: {  	s10 =	sadd.s32 $0xFFFFFFD0, s6;
	s7 =	sadd.s32 $0x80, s7;
	v12 =	vsel vm0, v7, v6;
	v11 =	vsel vm0, v11, v5;
	v6 =	vld [tilespmem:s8+$0x30]  }
0x2f: {  	v13 =	vor.u32 s10, v0;
	s8 =	sadd.s32 $0x80, s8;
	v5 =	vld [tilespmem:s7+$0xFFFFFFC0];
	vm0 =	vgt.f32 v3, v12;
	v8 =	vadd.f32 v10, v9  }
0x30: {  	s9 =	sadd.s32 $0x80, s9;
	s10 =	sadd.s32 $0xFFFFFFE0, s6;
	v7 =	vld [tilespmem:s8+$0xFFFFFFC0];
	v9 =	vsel vm0, v3, v12;
	v3 =	vsel vm0, v13, v11  }
0x31: {  	v10 =	vld [tilespmem:s7+$0xFFFFFFD0];
	vm0 =	vgt.f32 v8, v9;
	v1 =	vadd.f32 v4, v1  }
0x32: {  	v34 =	vld [tilespmem:s8+$0xFFFFFFD0];
	v8 =	vsel vm0, v8, v9  }
0x33: {  	v35 =	vld [tilespmem:s7+$0xFFFFFFE0];
	vm1 =	vgt.f32 v1, v8;
	v2 =	vadd.f32 v6, v2  }
0x34: {  	v36 =	vld [tilespmem:s8+$0xFFFFFFE0];
	v1 =	vsel vm1, v1, v8  }
0x35: {  	v37 =	vld [tilespmem:s7+$0xFFFFFFF0];
	v5 =	vadd.f32 v7, v5;
	vm3 =	vgt.f32 v2, v1  }
0x36: {  	v38 =	vld [tilespmem:s8+$0xFFFFFFF0];
	v1 =	vsel vm3, v2, v1  }
0x37: {  	v40 =	vld [tilespmem:s7+$0x0];
	v39 =	vadd.f32 v34, v10;
	vm2 =	vgt.f32 v5, v1  }
0x38: {  	v41 =	vld [tilespmem:s8+$0x0];
	v1 =	vsel vm2, v5, v1  }
0x39: {  	v42 =	vld [tilespmem:s7+$0x10];
	v6 =	vadd.f32 v36, v35;
	vm4 =	vgt.f32 v39, v1  }
0x3a: {  	v43 =	vld [tilespmem:s8+$0x10];
	v1 =	vsel vm4, v39, v1  }
0x3b: {  	v44 =	vld [tilespmem:s7+$0x20];
	v7 =	vadd.f32 v38, v37;
	vm5 =	vgt.f32 v6, v1  }
0x3c: {  	v45 =	vld [tilespmem:s8+$0x20];
	v1 =	vsel vm5, v6, v1  }
0x3d: {  	v46 =	vld [tilespmem:s7+$0x30];
	v4 =	vadd.f32 v41, v40;
	vm6 =	vgt.f32 v7, v1  }
0x3e: {  	v47 =	vld [tilespmem:s8+$0x30];
	v1 =	vsel vm6, v7, v1  }
0x3f: {  	v2 =	vadd.f32 v43, v42;
	vm9 =	vgt.f32 v4, v1  }
0x40: {  	v1 =	vsel vm9, v4, v1  }
0x41: {  	v48 =	vadd.f32 v45, v44;
	vm7 =	vgt.f32 v2, v1  }
0x42: {  	v1 =	vsel vm7, v2, v1  }
0x43: {  	v49 =	vadd.f32 v47, v46;
	vm8 =	vgt.f32 v48, v1  }
0x44: {  	v50 =	vor.u32 s10, v0;
	s18 =	sadd.s32 $0xFFFFFFF0, s6;
	v1 =	vsel vm8, v48, v1  }
0x45: {  	v3 =	vsel vm0, v50, v3;
	v51 =	vor.u32 s18, v0;
	vm14 =	vgt.f32 v49, v1  }
0x46: {  	v52 =	vor.u32 s6, v0;
	s19 =	sadd.s32 $0xFFFFFF90, s5;
	v3 =	vsel vm1, v51, v3;
	v1 =	vsel vm14, v49, v1  }
0x47: {  	s20 =	sadd.s32 $0xFFFFFFA0, s5;
	v53 =	vor.u32 s19, v0;
	v2 =	vsel vm3, v52, v3;
	(xrf0) =	vmax.scan.msk.f32 $0xffff, v1  }
0x48: {  	s21 =	sadd.s32 $0xFFFFFFB0, s5;
	v54 =	vor.u32 s20, v0;
	v2 =	vsel vm2, v53, v2  }
0x49: {  	s22 =	sadd.s32 $0xFFFFFFC0, s5;
	v55 =	vor.u32 s21, v0;
	v2 =	vsel vm4, v54, v2  }
0x4a: {  	s23 =	sadd.s32 $0xFFFFFFD0, s5;
	v56 =	vor.u32 s22, v0;
	v2 =	vsel vm5, v55, v2  }
0x4b: {  	s24 =	sadd.s32 $0xFFFFFFE0, s5;
	v57 =	vor.u32 s23, v0;
	v2 =	vsel vm6, v56, v2  }
0x4c: {  	s25 =	sadd.s32 $0xFFFFFFF0, s5;
	v58 =	vor.u32 s24, v0;
	v2 =	vsel vm9, v57, v2  }
0x4d: {  	v59 =	vor.u32 s25, v0;
	v2 =	vsel vm7, v58, v2;
	v60, _, _ =	vpop (xrf0)  }
0x4e: {  	v61 =	vor.u32 s5, v0;
	v2 =	vsel vm8, v59, v2;
	v62 =	vbroadcast v60, $0xF  }
0x4f: {  	v0 =	vsel vm14, v61, v2  }
0x50: {  	v0 =	vxor.u32 $0x80000000, v0;
	vm15 =	veq.f32 v1, v62  }
0x51: {  	v0 =	vnsel vm15, $0xFFFFFFFF, v0  }
0x52: {  	(xrf0) =	vmin.scan.msk.u32 $0xffff, v0;
	_ =	sdelay $0x5  }
0x53: {  	v0, _, _ =	vpop (xrf0)  }
0x54: {  	(v2sf) =	vpush v0, $0xF;
	_ =	sdelay $0xe  }
0x55: {  	s2 =	sshll.u32 s2, $0xA;
	s26 =	spop (v2sf)  }
0x56: {  	s2 =	sor.u32 s3, s2;
	s28 =	sxor.u32 $0x80000000, s26  }
0x57: {  	s29 =	simm.s32 $0x0;
	s2 =	sshrl.u32 s2, $0x3;
	v63 =	vmov s28  }
0x58: {  	s30 =	simm.s32 $0x8000;
	s31 =	simm.s32 $0x1;
	s2 =	sadd.s32 s4, s2;
	[tilespmem:$0x8000] =	vst v63  }
0x59: {  	[hbm4b:s2+s29] =	stream.linear.scatter [tilespmem:s30], [sflag:$0x1], $0x80, $0x38;
	[tilespmem:$0x8080] =	vst v63  }
0x5a: {  	_ =	swait.ge [sflag:s31], $0x80  }
0x5b: {  	[sflag:s31] =	ssyncset.done $0x0  }
0x5c: {  	[sflag:s31] =	ssyncadd.s32 $0xFFFFFF80  }
0x5d: {  	_ =	sfence.sel $0x180000  }
0x5e: {  	[bflag:$0x0] =	sbarrier.arrive $0xFFFF  }
0x5f: {  	p0 =	sne.s32 s1, $0x0;
	_ =	strace $0x90000047  }
0x60: {  	s0 =	sadd.s32 @!p0 $0x100000, s0;
	[bflag:$0x2] =	sbarrier.arrive $0xFFFF  }
0x61: {  	[sflag:s0] =	ssyncadd.tile.s32 @!p0 $0x1;
	_ =	shalt  }
.Lfunc_end2:
_tile_overlayer_lowered:
.L_overlay_start_2:
0x62: {  	(tag) =	ssettag $0x2  }
0x63: {  	s0 =	rddreg [dreg:$0x0];
	s2 =	stileid.u32  }
0x64: {  	s1 =	rddreg [dreg:$0x1];
	p0 =	sne.s32 s2, $0x0  }
0x65: {  	s3 =	rddreg [dreg:$0x2];
	[bflag:$0x3] =	sbarrier.arrive $0xFFFF;
	s2 =	simm.s32 @!p0 $0x1C01  }
0x66: {  	[timem:s3], [sflag:s2] =	dma.local @!p0 [hbm:s0], s1  }
0x67: {  	s0 =	simm.s32 @!p0 $0x1  }
0x68: {  	_ =	swait.ge @!p0 [sflag:s0], s1  }
0x69: {  	s1 =	ssub.s32 @!p0 $0x0, s1;
	[sflag:s0] =	ssyncset.done @!p0 $0x0  }
0x6a: {  	[sflag:s0] =	ssyncadd.s32 @!p0 s1  }
0x6b: {  	[bflag:$0x3] =	sbarrier.arrive $0xFFFF  }
0x6c: {  	_ =	shalt  }

</sc_bundles>
